<compile_context>
chip_gen: v7x
topology: tpu7x:2x2x1
jax: 0.10.2.dev20260603
libtpu: 0.0.44.dev20260713+nightly
codegen_flags: <defaults>
</compile_context>

<pallas_src>
import functools

import jax
import jax.numpy as jnp
from jax import lax
from jax.experimental import pallas as pl
from jax.experimental.pallas import tpu as pltpu
from jax.experimental.pallas import tpu_sc as plsc

NC = 2
NS = 16
NW = NC * NS

CHUNK = 64


def _body(lut_hbm, idx_hbm, out_hbm, idx_v, buf0, buf1, gsem0, gsem1,
          osem0, osem1, *, b_per_w, n_chunks):
  wid = lax.axis_index("s") * NC + lax.axis_index("c")
  base = wid * b_per_w

  pltpu.sync_copy(idx_hbm.at[pl.ds(base, b_per_w)], idx_v)

  bufs = (buf0, buf1)
  gsems = (gsem0, gsem1)
  osems = (osem0, osem1)

  def gather(k, b):
    return pltpu.make_async_copy(
        lut_hbm.at[idx_v.at[pl.ds(k * CHUNK, CHUNK)]], bufs[b], gsems[b])

  def writeback(k, b):
    return pltpu.make_async_copy(
        bufs[b], out_hbm.at[pl.ds(base + k * CHUNK, CHUNK)], osems[b])

  gather(0, 0).start()

  def step(m, _):
    for b in range(2):
      k = m * 2 + b
      gather(k, b).wait()
      @pl.when(k >= 1)
      def _():
        writeback(k - 1, 1 - b).wait()

      @pl.when(k + 1 < n_chunks)
      def _():
        gather(k + 1, 1 - b).start()
      writeback(k, b).start()
    return ()

  lax.fori_loop(0, n_chunks // 2, step, (), unroll=False)
  writeback(n_chunks - 1, 1).wait()


def kernel(x, lut):
  orig_shape = x.shape
  flat = x.reshape(-1).astype(jnp.int32)
  B = flat.shape[0]
  V, D = lut.shape
  b_per_w = B // NW
  n_chunks = b_per_w // CHUNK

  mesh = plsc.VectorSubcoreMesh(
      core_axis_name="c", subcore_axis_name="s", num_cores=NC,
      num_subcores=NS)

  grab = pl.kernel(
      functools.partial(_body, b_per_w=b_per_w, n_chunks=n_chunks),
      out_type=jax.ShapeDtypeStruct((B, D), lut.dtype),
      mesh=mesh,
      scratch_types=[
          pltpu.VMEM((b_per_w,), jnp.int32),
          pltpu.VMEM((CHUNK, D), jnp.float32),
          pltpu.VMEM((CHUNK, D), jnp.float32),
          pltpu.SemaphoreType.DMA,
          pltpu.SemaphoreType.DMA,
          pltpu.SemaphoreType.DMA,
          pltpu.SemaphoreType.DMA,
      ],
  )
  out = grab(lut, flat)
  return out.reshape(*orig_shape, D)

# --- scband reference (transcript-rebuilt; emitter-appended) ---
"""Pipeline reference for scband-embedding-18391049961535 (READ-ONLY COPY).

The authoritative reference and input builder live on the scoring server;
editing this copy changes nothing except your own understanding.
"""

import jax, jax.numpy as jnp
import numpy as np

VOCAB = 100000
D_MODEL = 512
BATCH = 4096
HIST = 200

def setup_inputs(seed: int = 0) -> dict:
    key = jax.random.key(seed)
    k1, k2 = jax.random.split(key)
    x = jax.random.randint(k1, (BATCH, HIST), 0, VOCAB, dtype=jnp.int64 if jax.config.jax_enable_x64 else jnp.int32)
    lut = jax.random.normal(k2, (VOCAB, D_MODEL), dtype=jnp.float32)
    return {"x": x, "lut": lut}

def reference(x, lut):
    # Faithful to nn.Embedding: simple row gather from the table.
    return jnp.take(lut, x, axis=0)

if __name__ == "__main__":
    import jax
    _d = setup_inputs()
    print(jax.jit(kernel)(*tuple(_d.values())))

</pallas_src>

<mosaic_0001>
#map = affine_map<(d0, d1) -> (0, 0)>
#map1 = affine_map<(d0, d1) -> (0)>
module attributes {stable_mosaic.version = 14 : i64} {
  func.func @_body(%arg0: i32, %arg1: i32, %arg2: memref<100000x512xf32, #tpu.memory_space<hbm>>, %arg3: memref<819200xi32, #tpu.memory_space<hbm>>, %arg4: memref<819200x512xf32, #tpu.memory_space<hbm>>, %arg5: memref<25600xi32, #tpu.memory_space<vmem>>, %arg6: memref<64x512xf32, #tpu.memory_space<vmem>>, %arg7: memref<64x512xf32, #tpu.memory_space<vmem>>, %arg8: memref<!tpu.dma_semaphore, #tpu.memory_space<semaphore_mem>>, %arg9: memref<!tpu.dma_semaphore, #tpu.memory_space<semaphore_mem>>, %arg10: memref<!tpu.dma_semaphore, #tpu.memory_space<semaphore_mem>>, %arg11: memref<!tpu.dma_semaphore, #tpu.memory_space<semaphore_mem>>) attributes {dimension_semantics = [#tpu.dimension_semantics<core_parallel>, #tpu.dimension_semantics<subcore_parallel>], iteration_bounds = array<i64: 2, 16>, scalar_prefetch = 0 : i64, scratch_operands = 7 : i64, tpu.core_type = #tpu.core_type<sc_vector_subcore>, window_params = [{transform_indices = #map}, {transform_indices = #map1}, {transform_indices = #map}]} {
    %mul3A = arith.constant 2 : i32
    %mul3A_0 = arith.muli %arg1, %mul3A : i32
    %add3A = arith.addi %mul3A_0, %arg0 : i32
    %mul3A_1 = arith.constant 25600 : i32
    %mul3A_2 = arith.muli %add3A, %mul3A_1 : i32
    "tpu.region"() ({
      %run_scoped3A = tpu.sem_alloc : memref<!tpu.dma_semaphore, #tpu.memory_space<semaphore_mem>>
      %dma_start3A_16 = tpu.memref_slice %arg3[%mul3A_2] : memref<819200xi32, #tpu.memory_space<hbm>> -> memref<25600xi32, #tpu.memory_space<hbm>>
      %dma_start3A_17 = tpu.memref_slice %arg3[%mul3A_2] : memref<819200xi32, #tpu.memory_space<hbm>> -> memref<25600xi32, #tpu.memory_space<hbm>>
      tpu.enqueue_dma source(%dma_start3A_17 : memref<25600xi32, #tpu.memory_space<hbm>>) target(%arg5 : memref<25600xi32, #tpu.memory_space<vmem>>) target_semaphore(%run_scoped3A : memref<!tpu.dma_semaphore, #tpu.memory_space<semaphore_mem>>)
      %dma_wait3A_18 = tpu.memref_slice %arg3[%mul3A_2] : memref<819200xi32, #tpu.memory_space<hbm>> -> memref<25600xi32, #tpu.memory_space<hbm>>
      %dma_wait3A_19 = tpu.memref_slice %arg3[%mul3A_2] : memref<819200xi32, #tpu.memory_space<hbm>> -> memref<25600xi32, #tpu.memory_space<hbm>>
      tpu.wait_dma2 semaphore(%run_scoped3A : memref<!tpu.dma_semaphore, #tpu.memory_space<semaphore_mem>>) src(%dma_wait3A_19 : memref<25600xi32, #tpu.memory_space<hbm>>) dst(%arg5 : memref<25600xi32, #tpu.memory_space<vmem>>)
      tpu.yield
    }) : () -> ()
    %dma_start3A = arith.constant 0 : i32
    %dma_start3A_3 = tpu.memref_slice %arg5[%dma_start3A] : memref<25600xi32, #tpu.memory_space<vmem>> -> memref<64xi32, #tpu.memory_space<vmem>>
    %dma_start3A_4 = arith.constant 0 : i32
    %dma_start3A_5 = arith.constant 0 : i32
    %dma_start3A_6 = tpu.memref_slice %arg2[%dma_start3A_4, %dma_start3A_5] : memref<100000x512xf32, #tpu.memory_space<hbm>> -> memref<100000x512xf32, #tpu.memory_space<hbm>>
    tpu.enqueue_indirect_dma source(%dma_start3A_6 : memref<100000x512xf32, #tpu.memory_space<hbm>>) target(%arg6 : memref<64x512xf32, #tpu.memory_space<vmem>>) offsets(%dma_start3A_3 : memref<64xi32, #tpu.memory_space<vmem>>) semaphore(%arg8 : memref<!tpu.dma_semaphore, #tpu.memory_space<semaphore_mem>>)
    %scan3A = arith.constant 0 : i32
    %scan3A_7 = arith.constant 200 : i32
    %scan3A_8 = arith.addi %scan3A, %scan3A_7 : i32
    %scan3A_9 = arith.constant 1 : i32
    scf.for %scan3A_16 = %scan3A to %scan3A_8 step %scan3A_9  : i32 {
      %mul3A_17 = arith.constant 2 : i32
      %mul3A_18 = arith.muli %scan3A_16, %mul3A_17 : i32
      %add3A_19 = arith.constant 0 : i32
      %add3A_20 = arith.addi %mul3A_18, %add3A_19 : i32
      %mul3A_21 = arith.constant 64 : i32
      %mul3A_22 = arith.muli %add3A_20, %mul3A_21 : i32
      %dma_wait3A_23 = tpu.memref_slice %arg5[%mul3A_22] : memref<25600xi32, #tpu.memory_space<vmem>> -> memref<64xi32, #tpu.memory_space<vmem>>
      %dma_wait3A_24 = arith.constant 0 : i32
      %dma_wait3A_25 = arith.constant 0 : i32
      %dma_wait3A_26 = tpu.memref_slice %arg2[%dma_wait3A_24, %dma_wait3A_25] : memref<100000x512xf32, #tpu.memory_space<hbm>> -> memref<100000x512xf32, #tpu.memory_space<hbm>>
      tpu.wait_indirect_dma semaphore(%arg8 : memref<!tpu.dma_semaphore, #tpu.memory_space<semaphore_mem>>) src(%dma_wait3A_26 : memref<100000x512xf32, #tpu.memory_space<hbm>>) dst(%arg6 : memref<64x512xf32, #tpu.memory_space<vmem>>)
      %ge3A = arith.constant 1 : i32
      %ge3A_27 = arith.cmpi sge, %add3A_20, %ge3A : i32
      %convert_element_type3A = arith.extui %ge3A_27 : i1 to i32
      %cond3A = arith.constant 0 : i32
      %cond3A_28 = arith.cmpi ne, %convert_element_type3A, %cond3A : i32
      scf.if %cond3A_28 {
        %sub3A = arith.constant 1 : i32
        %sub3A_71 = arith.subi %add3A_20, %sub3A : i32
        %mul3A_72 = arith.constant 64 : i32
        %mul3A_73 = arith.muli %sub3A_71, %mul3A_72 : i32
        %add3A_74 = arith.addi %mul3A_2, %mul3A_73 : i32
        %dma_wait3A_75 = arith.constant 0 : i32
        %dma_wait3A_76 = tpu.memref_slice %arg4[%add3A_74, %dma_wait3A_75] : memref<819200x512xf32, #tpu.memory_space<hbm>> -> memref<64x512xf32, #tpu.memory_space<hbm>>
        %dma_wait3A_77 = arith.constant 0 : i32
        %dma_wait3A_78 = tpu.memref_slice %arg4[%add3A_74, %dma_wait3A_77] : memref<819200x512xf32, #tpu.memory_space<hbm>> -> memref<64x512xf32, #tpu.memory_space<hbm>>
        tpu.wait_dma2 semaphore(%arg11 : memref<!tpu.dma_semaphore, #tpu.memory_space<semaphore_mem>>) src(%arg7 : memref<64x512xf32, #tpu.memory_space<vmem>>) dst(%dma_wait3A_78 : memref<64x512xf32, #tpu.memory_space<hbm>>)
      } else {
      }
      %add3A_29 = arith.constant 1 : i32
      %add3A_30 = arith.addi %add3A_20, %add3A_29 : i32
      %lt3A = arith.constant 400 : i32
      %lt3A_31 = arith.cmpi slt, %add3A_30, %lt3A : i32
      %convert_element_type3A_32 = arith.extui %lt3A_31 : i1 to i32
      %cond3A_33 = arith.constant 0 : i32
      %cond3A_34 = arith.cmpi ne, %convert_element_type3A_32, %cond3A_33 : i32
      scf.if %cond3A_34 {
        %add3A_71 = arith.constant 1 : i32
        %add3A_72 = arith.addi %add3A_20, %add3A_71 : i32
        %mul3A_73 = arith.constant 64 : i32
        %mul3A_74 = arith.muli %add3A_72, %mul3A_73 : i32
        %dma_start3A_75 = tpu.memref_slice %arg5[%mul3A_74] : memref<25600xi32, #tpu.memory_space<vmem>> -> memref<64xi32, #tpu.memory_space<vmem>>
        %dma_start3A_76 = arith.constant 0 : i32
        %dma_start3A_77 = arith.constant 0 : i32
        %dma_start3A_78 = tpu.memref_slice %arg2[%dma_start3A_76, %dma_start3A_77] : memref<100000x512xf32, #tpu.memory_space<hbm>> -> memref<100000x512xf32, #tpu.memory_space<hbm>>
        tpu.enqueue_indirect_dma source(%dma_start3A_78 : memref<100000x512xf32, #tpu.memory_space<hbm>>) target(%arg7 : memref<64x512xf32, #tpu.memory_space<vmem>>) offsets(%dma_start3A_75 : memref<64xi32, #tpu.memory_space<vmem>>) semaphore(%arg9 : memref<!tpu.dma_semaphore, #tpu.memory_space<semaphore_mem>>)
      } else {
      }
      %mul3A_35 = arith.constant 64 : i32
      %mul3A_36 = arith.muli %add3A_20, %mul3A_35 : i32
      %add3A_37 = arith.addi %mul3A_2, %mul3A_36 : i32
      %dma_start3A_38 = arith.constant 0 : i32
      %dma_start3A_39 = tpu.memref_slice %arg4[%add3A_37, %dma_start3A_38] : memref<819200x512xf32, #tpu.memory_space<hbm>> -> memref<64x512xf32, #tpu.memory_space<hbm>>
      %dma_start3A_40 = arith.constant 0 : i32
      %dma_start3A_41 = tpu.memref_slice %arg4[%add3A_37, %dma_start3A_40] : memref<819200x512xf32, #tpu.memory_space<hbm>> -> memref<64x512xf32, #tpu.memory_space<hbm>>
      tpu.enqueue_dma source(%arg6 : memref<64x512xf32, #tpu.memory_space<vmem>>) target(%dma_start3A_41 : memref<64x512xf32, #tpu.memory_space<hbm>>) target_semaphore(%arg10 : memref<!tpu.dma_semaphore, #tpu.memory_space<semaphore_mem>>)
      %mul3A_42 = arith.constant 2 : i32
      %mul3A_43 = arith.muli %scan3A_16, %mul3A_42 : i32
      %add3A_44 = arith.constant 1 : i32
      %add3A_45 = arith.addi %mul3A_43, %add3A_44 : i32
      %mul3A_46 = arith.constant 64 : i32
      %mul3A_47 = arith.muli %add3A_45, %mul3A_46 : i32
      %dma_wait3A_48 = tpu.memref_slice %arg5[%mul3A_47] : memref<25600xi32, #tpu.memory_space<vmem>> -> memref<64xi32, #tpu.memory_space<vmem>>
      %dma_wait3A_49 = arith.constant 0 : i32
      %dma_wait3A_50 = arith.constant 0 : i32
      %dma_wait3A_51 = tpu.memref_slice %arg2[%dma_wait3A_49, %dma_wait3A_50] : memref<100000x512xf32, #tpu.memory_space<hbm>> -> memref<100000x512xf32, #tpu.memory_space<hbm>>
      tpu.wait_indirect_dma semaphore(%arg9 : memref<!tpu.dma_semaphore, #tpu.memory_space<semaphore_mem>>) src(%dma_wait3A_51 : memref<100000x512xf32, #tpu.memory_space<hbm>>) dst(%arg7 : memref<64x512xf32, #tpu.memory_space<vmem>>)
      %ge3A_52 = arith.constant 1 : i32
      %ge3A_53 = arith.cmpi sge, %add3A_45, %ge3A_52 : i32
      %convert_element_type3A_54 = arith.extui %ge3A_53 : i1 to i32
      %cond3A_55 = arith.constant 0 : i32
      %cond3A_56 = arith.cmpi ne, %convert_element_type3A_54, %cond3A_55 : i32
      scf.if %cond3A_56 {
        %sub3A = arith.constant 1 : i32
        %sub3A_71 = arith.subi %add3A_45, %sub3A : i32
        %mul3A_72 = arith.constant 64 : i32
        %mul3A_73 = arith.muli %sub3A_71, %mul3A_72 : i32
        %add3A_74 = arith.addi %mul3A_2, %mul3A_73 : i32
        %dma_wait3A_75 = arith.constant 0 : i32
        %dma_wait3A_76 = tpu.memref_slice %arg4[%add3A_74, %dma_wait3A_75] : memref<819200x512xf32, #tpu.memory_space<hbm>> -> memref<64x512xf32, #tpu.memory_space<hbm>>
        %dma_wait3A_77 = arith.constant 0 : i32
        %dma_wait3A_78 = tpu.memref_slice %arg4[%add3A_74, %dma_wait3A_77] : memref<819200x512xf32, #tpu.memory_space<hbm>> -> memref<64x512xf32, #tpu.memory_space<hbm>>
        tpu.wait_dma2 semaphore(%arg10 : memref<!tpu.dma_semaphore, #tpu.memory_space<semaphore_mem>>) src(%arg6 : memref<64x512xf32, #tpu.memory_space<vmem>>) dst(%dma_wait3A_78 : memref<64x512xf32, #tpu.memory_space<hbm>>)
      } else {
      }
      %add3A_57 = arith.constant 1 : i32
      %add3A_58 = arith.addi %add3A_45, %add3A_57 : i32
      %lt3A_59 = arith.constant 400 : i32
      %lt3A_60 = arith.cmpi slt, %add3A_58, %lt3A_59 : i32
      %convert_element_type3A_61 = arith.extui %lt3A_60 : i1 to i32
      %cond3A_62 = arith.constant 0 : i32
      %cond3A_63 = arith.cmpi ne, %convert_element_type3A_61, %cond3A_62 : i32
      scf.if %cond3A_63 {
        %add3A_71 = arith.constant 1 : i32
        %add3A_72 = arith.addi %add3A_45, %add3A_71 : i32
        %mul3A_73 = arith.constant 64 : i32
        %mul3A_74 = arith.muli %add3A_72, %mul3A_73 : i32
        %dma_start3A_75 = tpu.memref_slice %arg5[%mul3A_74] : memref<25600xi32, #tpu.memory_space<vmem>> -> memref<64xi32, #tpu.memory_space<vmem>>
        %dma_start3A_76 = arith.constant 0 : i32
        %dma_start3A_77 = arith.constant 0 : i32
        %dma_start3A_78 = tpu.memref_slice %arg2[%dma_start3A_76, %dma_start3A_77] : memref<100000x512xf32, #tpu.memory_space<hbm>> -> memref<100000x512xf32, #tpu.memory_space<hbm>>
        tpu.enqueue_indirect_dma source(%dma_start3A_78 : memref<100000x512xf32, #tpu.memory_space<hbm>>) target(%arg6 : memref<64x512xf32, #tpu.memory_space<vmem>>) offsets(%dma_start3A_75 : memref<64xi32, #tpu.memory_space<vmem>>) semaphore(%arg8 : memref<!tpu.dma_semaphore, #tpu.memory_space<semaphore_mem>>)
      } else {
      }
      %mul3A_64 = arith.constant 64 : i32
      %mul3A_65 = arith.muli %add3A_45, %mul3A_64 : i32
      %add3A_66 = arith.addi %mul3A_2, %mul3A_65 : i32
      %dma_start3A_67 = arith.constant 0 : i32
      %dma_start3A_68 = tpu.memref_slice %arg4[%add3A_66, %dma_start3A_67] : memref<819200x512xf32, #tpu.memory_space<hbm>> -> memref<64x512xf32, #tpu.memory_space<hbm>>
      %dma_start3A_69 = arith.constant 0 : i32
      %dma_start3A_70 = tpu.memref_slice %arg4[%add3A_66, %dma_start3A_69] : memref<819200x512xf32, #tpu.memory_space<hbm>> -> memref<64x512xf32, #tpu.memory_space<hbm>>
      tpu.enqueue_dma source(%arg7 : memref<64x512xf32, #tpu.memory_space<vmem>>) target(%dma_start3A_70 : memref<64x512xf32, #tpu.memory_space<hbm>>) target_semaphore(%arg11 : memref<!tpu.dma_semaphore, #tpu.memory_space<semaphore_mem>>)
    }
    %scan3A_10 = arith.constant 200 : i32
    %add3A_11 = arith.constant 25536 : i32
    %add3A_12 = arith.addi %mul3A_2, %add3A_11 : i32
    %dma_wait3A = arith.constant 0 : i32
    %dma_wait3A_13 = tpu.memref_slice %arg4[%add3A_12, %dma_wait3A] : memref<819200x512xf32, #tpu.memory_space<hbm>> -> memref<64x512xf32, #tpu.memory_space<hbm>>
    %dma_wait3A_14 = arith.constant 0 : i32
    %dma_wait3A_15 = tpu.memref_slice %arg4[%add3A_12, %dma_wait3A_14] : memref<819200x512xf32, #tpu.memory_space<hbm>> -> memref<64x512xf32, #tpu.memory_space<hbm>>
    tpu.wait_dma2 semaphore(%arg11 : memref<!tpu.dma_semaphore, #tpu.memory_space<semaphore_mem>>) src(%arg7 : memref<64x512xf32, #tpu.memory_space<vmem>>) dst(%dma_wait3A_15 : memref<64x512xf32, #tpu.memory_space<hbm>>)
    return
  }
}

</mosaic_0001>

<sc_bundles>
// kernel: kernel.3.cloned.1.call-start
scs
__scs_entry_jumppad:
0x0: {  	(pc) =	sbr.rel $0x88, $3  }
0x1: {  	(tag) =	ssettag $0x0;
	lr =	simm.s32 $0x1  }
0x2: {  	[smem:$0x3F9F] =	sst lr;
	_ =	strace $0xD0000000  }
0x3: {  	_ = 	snop  }
0x4: {  	_ = 	snop  }
0x5: {  	_ = 	snop  }
0x6: {  	_ = 	snop  }
0x7: {  	_ = 	snop  }
__scs_overlays_trampoline_lowered:
0x8: {  	[smem:$0x3FAE] =	sst s0  }
0x9: {  	[smem:$0x3FAF] =	sst s1  }
0xa: {  	[smem:$0x3FB0] =	sst s2  }
0xb: {  	[smem:$0x3FB1] =	sst s3  }
0xc: {  	[smem:$0x3FB2] =	sst s4  }
0xd: {  	[smem:$0x3FB3] =	sst s5  }
0xe: {  	[smem:$0x3FB4] =	sst s6  }
0xf: {  	[smem:$0x3FB5] =	sst s7  }
0x10: {  	[smem:$0x3FB6] =	sst s8  }
0x11: {  	[smem:$0x3FB7] =	sst s9;
	s0 =	simm.s32 @!p0 $0x0  }
0x12: {  	s1 =	sld [smem:$0x3F9D];
	s0 =	simm.s32 @p0 $0x1  }
0x13: {  	[smem:$0x3FB8] =	sst s0;
	s0 =	simm.s32 @!p1 $0x0  }
0x14: {  	s2 =	sld [smem:$0x3F9C];
	s0 =	simm.s32 @p1 $0x1  }
0x15: {  	[smem:$0x3FB9] =	sst s0;
	s0 =	simm.s32 @!p2 $0x0  }
0x16: {  	s3 =	sld [smem:$0x3FDB];
	s0 =	simm.s32 @p2 $0x1  }
0x17: {  	s4 =	simm.s32 $0x1BF5;
	[smem:$0x3FBB] =	sst s0  }
0x18: {  	s0 =	sld [smem:$0x3F9E];
	_ =	swait.ge [sflag:s4], $0x0  }
0x19: {  	s7 =	sld [smem:$0x3F9F]  }
0x1a: {  	s8 =	sadd.s32 $0xFFFFE003, lr  }
0x1b: {  	s9 =	sadd.s32 $0xFFFFFEF7, lr;
	s5 =	simm.s32 $0xFFFFFFFF;
	p2 =	slt.u32 s8, $0xFFFFF086  }
0x1c: {  	p1 =	slt.u32 s9, $0xF7A;
	s5 =	simm.s32 @!p2 $0x0  }
0x1d: {  	s5 =	simm.s32 @p1 $0x1;
	p0 =	seq.s32 s7, s2  }
0x1e: {  	s7 =	smul.u32 @!p0 $0xF7A, s2;
	p2 =	seq.s32 @!p0 s5, $0x0  }
0x1f: {  	s9 =	smul.u32 $0xF7A, s1;
	s8 =	simm.s32 @!p0 $0x1BF5;
	p2 =	por !p2, p0  }
0x20: {  	[sflag:s8] =	ssyncset.s32 @!p0 $0xFFFFF086;
	s6 =	sadd.s32 @!p0 s3, s7;
	s7 =	simm.s32 @!p0 $0x108  }
0x21: {  	s3 =	sadd.s32 s3, s9;
	s6 =	sadd.s32 @!p0 $0x88, s6;
	s7 =	simm.s32 @p2 $0x1082  }
0x22: {  	[simem:s7], [sflag:s8] =	dma.local @!p0 [hbm:s6], $0xF7A  }
0x23: {  	s9 =	sor.u32 $0xD0000000, s2;
	s6 =	simm.s32 $0x108;
	_ =	swait.ge @!p0 [sflag:s8], $0x0  }
0x24: {  	s3 =	sadd.s32 $0x88, s3;
	s6 =	simm.s32 @!p1 $0x1082;
	[sflag:s4] =	ssyncset.s32 $0xFFFFF086  }
0x25: {  	[simem:s6], [sflag:s4] =	dma.local [hbm:s3], $0xF7A  }
0x26: {  	[smem:$0x3F9F] =	sst s1;
	(tag) =	ssettag s2;
	_ =	strace s9  }
0x27: {  	s1 =	sld [smem:$0x3FAF]  }
0x28: {  	s2 =	sld [smem:$0x3FB0]  }
0x29: {  	s4 =	sld [smem:$0x3FB2]  }
0x2a: {  	p0 =	seq.s32 s5, $0x0;
	s5 =	sld [smem:$0x3FB3]  }
0x2b: {  	s6 =	sld [smem:$0x3FB4]  }
0x2c: {  	s7 =	sld [smem:$0x3FB5]  }
0x2d: {  	s3 =	simm.s32 $0x108;
	s8 =	sld [smem:$0x3FB6]  }
0x2e: {  	s3 =	simm.s32 @!p0 $0x1082;
	s9 =	sld [smem:$0x3FB7]  }
0x2f: {  	lr =	sadd.s32 s0, s3;
	s0 =	sld [smem:$0x3FAE]  }
0x30: {  	s3 =	sld [smem:$0x3FB1]  }
0x31: {  	[smem:$0x3FBA] =	sst s10  }
0x32: {  	s10 =	sld [smem:$0x3FB8];
	_ =	sdelay $0x3  }
0x33: {  	p0 =	seq.s32 s10, $0x1;
	s10 =	sld [smem:$0x3FBA];
	_ =	sdelay $0x3  }
0x34: {  	[smem:$0x3FBA] =	sst s10  }
0x35: {  	s10 =	sld [smem:$0x3FB9];
	_ =	sdelay $0x3  }
0x36: {  	p1 =	seq.s32 s10, $0x1;
	s10 =	sld [smem:$0x3FBA];
	_ =	sdelay $0x3  }
0x37: {  	[smem:$0x3FBA] =	sst s10  }
0x38: {  	s10 =	sld [smem:$0x3FBB]  }
0x39: {  	_ = 	snop;
	(pc) =	sbr.ind lr, $3  }
0x3a: {  	_ = 	snop  }
0x3b: {  	_ = 	snop  }
0x3c: {  	p2 =	seq.s32 s10, $0x1;
	s10 =	sld [smem:$0x3FBA]  }
0x3d: {  	_ =	shalt  }
0x3e: {  	_ =	shalt  }
0x3f: {  	_ =	shalt  }
0x40: {  	_ =	shalt  }
0x41: {  	_ =	shalt  }
0x42: {  	_ =	shalt  }
0x43: {  	_ =	shalt  }
0x44: {  	_ =	shalt  }
0x45: {  	_ =	shalt  }
0x46: {  	_ =	shalt  }
0x47: {  	_ =	shalt  }
0x48: {  	_ =	shalt  }
0x49: {  	_ =	shalt  }
0x4a: {  	_ =	shalt  }
0x4b: {  	_ =	shalt  }
0x4c: {  	_ =	shalt  }
0x4d: {  	_ =	shalt  }
0x4e: {  	_ =	shalt  }
0x4f: {  	_ =	shalt  }
0x50: {  	_ =	shalt  }
0x51: {  	_ =	shalt  }
0x52: {  	_ =	shalt  }
0x53: {  	_ =	shalt  }
0x54: {  	_ =	shalt  }
0x55: {  	_ =	shalt  }
0x56: {  	_ =	shalt  }
0x57: {  	_ =	shalt  }
0x58: {  	_ =	shalt  }
0x59: {  	_ =	shalt  }
0x5a: {  	_ =	shalt  }
0x5b: {  	_ =	shalt  }
0x5c: {  	_ =	shalt  }
0x5d: {  	_ =	shalt  }
0x5e: {  	_ =	shalt  }
0x5f: {  	_ =	shalt  }
0x60: {  	_ =	shalt  }
0x61: {  	_ =	shalt  }
0x62: {  	_ =	shalt  }
0x63: {  	_ =	shalt  }
0x64: {  	_ =	shalt  }
0x65: {  	_ =	shalt  }
0x66: {  	_ =	shalt  }
0x67: {  	_ =	shalt  }
0x68: {  	_ =	shalt  }
0x69: {  	_ =	shalt  }
0x6a: {  	_ =	shalt  }
0x6b: {  	_ =	shalt  }
0x6c: {  	_ =	shalt  }
0x6d: {  	_ =	shalt  }
0x6e: {  	_ =	shalt  }
0x6f: {  	_ =	shalt  }
0x70: {  	_ =	shalt  }
0x71: {  	_ =	shalt  }
0x72: {  	_ =	shalt  }
0x73: {  	_ =	shalt  }
0x74: {  	_ =	shalt  }
0x75: {  	_ =	shalt  }
0x76: {  	_ =	shalt  }
0x77: {  	_ =	shalt  }
0x78: {  	_ =	shalt  }
0x79: {  	_ =	shalt  }
0x7a: {  	_ =	shalt  }
0x7b: {  	_ =	shalt  }
0x7c: {  	_ =	shalt  }
0x7d: {  	_ =	shalt  }
0x7e: {  	_ =	shalt  }
0x7f: {  	_ =	shalt  }
0x80: {  	_ =	shalt  }
0x81: {  	_ =	shalt  }
0x82: {  	_ =	shalt  }
0x83: {  	_ =	shalt  }
0x84: {  	_ =	shalt  }
0x85: {  	_ =	shalt  }
0x86: {  	_ =	shalt  }
0x87: {  	_ =	shalt  }
.Lfunc_end0:
.L_simem_size_0:
called_computation_lowered:
.L_overlay_start_0:
0x88: {  	s2 =	sld [smem:$0x3FD9]  }
0x89: {  	s3 =	sld [smem:$0x3FFE];
	_ =	sdelay $0x1  }
0x8a: {  	s1 =	srdreg.scid  }
0x8b: {  	s0 =	sand.u32 $0x1, s1  }
0x8c: {  	s17 =	sshll.u32 s0, $0xA;
	s2 =	sadd.s32 s3, s2  }
0x8d: {  	s2 =	sadd.s32 s2, s17  }
0x8e: {  	[smem:$0x3FC6] =	sst s2  }
0x8f: {  	_ = 	snop  }
0x90: {  	s2 =	sld [smem:$0x3FC8]  }
0x91: {  	s18 =	sld [smem:$0x3FD0];
	(tm) =	ssettm $0x1  }
0x92: {  	s4 =	sld [smem:$0x3FFB];
	_ =	sdelay $0x3  }
0x93: {  	_ =	strace s4  }
0x94: {  	s4 =	sld [smem:$0x3FFC];
	_ =	sdelay $0x3  }
0x95: {  	_ =	strace s4  }
0x96: {  	s4 =	sld [smem:$0x3FFD];
	_ =	sdelay $0x3  }
0x97: {  	_ =	strace s4  }
0x98: {  	_ =	strace $0x8FFFFFFF  }
0x99: {  	s19 =	sld [smem:$0x3FDB];
	_ =	sdelay $0x1  }
0x9a: {  	s5 =	simm.s32 $_scs_section_size  }
0x9b: {  	s6 =	simm.s32 $_size__tile_overlayer_lowered;
	s7 =	simm.s32 $_tile_overlayer_lowered  }
0x9c: {  	s22 =	simm.s32 $0x1BFF;
	s21 =	sshll.u32 s7, $0x1;
	s4 =	sadd.s32 s5, s19  }
0x9d: {  	s8 =	simm.s32 $0x0;
	s20 =	sshll.u32 s6, $0x1;
	s6 =	sadd.s32 s21, s4  }
0x9e: {  	[timem:s8], [sflag:s22] =	dma.local [hbm:s6], s20  }
0x9f: {  	_ =	swait.ge [sflag:s22], s20  }
0xa0: {  	s5 =	ssub.s32 $0x0, s20;
	[sflag:s22] =	ssyncset.done $0x0  }
0xa1: {  	[sflag:s22] =	ssyncadd.s32 s5;
	_ =	sdelay $0x1  }
0xa2: {  	s23 =	simm.s32 $0x1B8B  }
0xa3: {  	_ =	swait.ge [sflag:s23], $0x1  }
0xa4: {  	[sflag:s23] =	ssyncset.done $0x0  }
0xa5: {  	s25 =	simm.s32 $0x1B8E;
	s24 =	sld [smem:$0x3FFE];
	[sflag:s23] =	ssyncadd.s32 $0xFFFFFFFF  }
0xa6: {  	s26 =	simm.s32 $execute0_lowered;
	[smem:$0x3FD2] =	sst s25  }
0xa7: {  	s6 =	sshll.u32 s26, $0x1;
	_ =	strace $0x80000046;
	[dreg:$0x1] =	wrdreg $0xFFFFFFFF  }
0xa8: {  	s28 =	simm.s32 $_size_execute0_lowered;
	s4 =	sadd.s32 s4, s6;
	[dreg:$0x0] =	wrdreg $0x0  }
0xa9: {  	s6 =	sshll.u32 s28, $0x1;
	[dreg:$0x2] =	wrdreg s4  }
0xaa: {  	[dreg:$0x3] =	wrdreg s6  }
0xab: {  	[dreg:$0x4] =	wrdreg $0xC0  }
0xac: {  	_ =	task [dreg:s8], $0x5FFFF  }
0xad: {  	[dreg:$0x1] =	wrdreg $0xFFFFFFFF  }
0xae: {  	[dreg:$0x0] =	wrdreg $0x60  }
0xaf: {  	[dreg:$0x2] =	wrdreg s2  }
0xb0: {  	[dreg:$0x3] =	wrdreg s24  }
0xb1: {  	[dreg:$0x4] =	wrdreg s18  }
0xb2: {  	[dreg:$0x5] =	wrdreg $0x9  }
0xb3: {  	_ =	task.clear_ibuf [dreg:s8], $0x6FFFF;
	_ =	strace $0x90000046  }
0xb4: {  	s29 =	simm.s32 $0x9;
	_ =	strace $0x80000048  }
0xb5: {  	_ =	swait.ge [sflag:s29], $0x1  }
0xb6: {  	[sflag:s29] =	ssyncadd.s32 $0xFFFFFFFF  }
0xb7: {  	_ =	strace $0x90000048  }
0xb8: {  	_ =	sfence  }
0xb9: {  	s30 =	sld [smem:$0x0];
	_ =	sdelay $0x2  }
0xba: {  	s31 =	sshll.u32 s1, $0xD;
	s1 =	sshrl.u32 s1, $0x2  }
0xbb: {  	s3 =	sand.u32 $0x4000, s31;
	s1 =	sadd.s32 s1, s30  }
0xbc: {  	s0 =	sor.u32 s3, s0;
	s1 =	sshll.u32 s1, $0x11  }
0xbd: {  	s0 =	sor.u32 s1, s0  }
0xbe: {  	s0 =	sadd.s32 $0x8F2B, s0  }
0xbf: {  	[sflag:s0] =	ssyncadd.remote.s32 $0x1  }
0xc0: {  	_ =	sfence.sel $0xFFFF  }
0xc1: {  	[dreg:$0x0] =	wrdreg $0xFFFFFFFF;
	(pc) =	sbr.abs _section_cstart, $3  }
0xc2: {  	[dreg:$0x1] =	wrdreg $0xFFFFFFFF  }
0xc3: {  	_ =	task.clear_ibuf [dreg:s8], $0x2FFFF;
	_ =	strace $0x9FFFFFFF  }
0xc4: {  	(tm) =	ssettm $0x7FFFFFFF  }
0xc5: {  	_ =	shalt  }
tec
execute0_lowered:
.L_overlay_start_1:
0x0: {  	(tag) =	ssettag $0x1  }
0x1: {  	s1 =	rddreg [dreg:$0x0]  }
0x2: {  	s0 =	rddreg [dreg:$0x1]  }
0x3: {  	s2 =	rddreg [dreg:$0x2]  }
0x4: {  	s3 =	srdreg.scid;
	s6 =	stileid.u32;
	s10 =	simm.s32 $0x6400  }
0x5: {  	s23 =	simm.s32 $0xCC00;
	s24 =	simm.s32 $0xD400;
	s28 =	simm.s32 $0xE400  }
0x6: {  	s29 =	simm.s32 $0xEC00;
	s30 =	simm.s32 $0xF400;
	s31 =	simm.s32 $0xFC00  }
0x7: {  	s9 =	simm.s32 $0x12400;
	s11 =	simm.s32 $0x12C00;
	s12 =	simm.s32 $0x13400  }
0x8: {  	s13 =	simm.s32 $0x13C00;
	s14 =	simm.s32 $0x14400;
	s15 =	simm.s32 $0x14C00  }
0x9: {  	s16 =	simm.s32 $0x15400;
	s17 =	simm.s32 $0x15C00;
	s18 =	simm.s32 $0x2  }
0xa: {  	s19 =	simm.s32 $0x3;
	s22 =	simm.s32 $0x0;
	s4 =	sand.u32 $0x1, s3  }
0xb: {  	s5 =	sshll.u32 s6, $0x1;
	s6 =	smul.u32 $0x1900000, s6;
	s3 =	simm.s32 $0x0  }
0xc: {  	s5 =	sor.u32 s4, s5;
	s7 =	smul.u32 $0xC80000, s4;
	s4 =	ssub.s32 $0x2, s4  }
0xd: {  	[smem:$0x7FF] =	sst s3;
	s5 =	smul.u32 $0xC80, s5;
	s8 =	sshrl.u32 s4, $0x1  }
0xe: {  	_ =	strace $0x80000047;
	s6 =	sadd.s32 s7, s6;
	s4 =	ssub.s32 s4, s8  }
0xf: {  	s0 =	sadd.s32 s5, s0;
	s7 =	sor.u32 $0x8000, s6;
	s5 =	sadd.s32 $0x100, s1  }
.Ltmp0:
0x10: {  	s4 =	smax.u32 s4, $0x1;
	s26 =	sshrl.u32 s6, $0x3;
	(pc) =	sbr.rel .LBB2_1-.Ltmp0, $4  }
0x11: {  	s6 =	simm.s32 $0x11C00;
	s0 =	sadd.s32 $0x400, s0;
	s25 =	sshrl.u32 s7, $0x3  }
0x12: {  	v2 =	vlaneseq.u32;
	[dreg:$0x5] =	wrdreg s4;
	s8 =	sadd.s32 s26, s2;
	s26 =	simm.s32 $0x1  }
0x13: {  	vm0 =	vmmov $0xffff;
	v1 =	vshrl.u32 v2, $0x3;
	s4 =	simm.s32 $0x11400;
	[dreg:$0x4] =	wrdreg s0;
	s7 =	sadd.s32 s25, s2  }
0x14: {  	v0 =	vand.u32 $0x7, v2;
	v2 =	vor.u32 $0x8, v2;
	v1 =	vmul.u32 $0x8, v1;
	s25 =	simm.s32 $0xDC00;
	s0 =	simm.s32 $0x10400;
	s2 =	simm.s32 $0x10C00  }
.LBB2_5:
0x15: {  	s21 =	simm.s32 $0x4  }
0x16: {  	_ =	swait.ge [sflag:s21], $0x8000  }
0x17: {  	s22 =	rddreg [dreg:$0x6]  }
0x18: {  	s20 =	rddreg [dreg:$0x5];
	s22 =	sadd.s32 $0x1, s22  }
0x19: {  	p0 =	sne.s32 s22, s20  }
.Ltmp1:
0x1a: {  	_ = 	snop;
	(pc) =	sbr.rel @!p0 .LBB2_6-.Ltmp1, $3  }
0x1b: {  	_ =	sdelay $0x1  }
0x1c: {  	[sflag:s21] =	ssyncset.done $0x0  }
0x1d: {  	[sflag:s21] =	ssyncadd.s32 $0xFFFF8000  }
.LBB2_1:
0x1e: {  	[dreg:$0x6] =	wrdreg s22  }
0x1f: {  	s20 =	rddreg [dreg:$0x4];
	s22 =	simm.s32 $0x5  }
0x20: {  	[tilespmem:s3], [sflag:$0x5] =	stream.linear.gather [hbm4b:s20+s3], $0x6400, $0x38;
	[tilespmem:$0x16400] =	vst v63  }
0x21: {  	_ =	swait.ge [sflag:s22], $0x6400  }
0x22: {  	[sflag:s22] =	ssyncset.done $0x0  }
0x23: {  	[sflag:s22] =	ssyncadd.s32 $0xFFFF9C00  }
0x24: {  	v3 =	vld [tilespmem:$0x0];
	_ =	sdelay $0x4  }
0x25: {  	v4 =	vshll.u32 v3, $0x2  }
0x26: {  	v3 =	vand.u32 $0x7, v3;
	v4 =	vand.u32 $0xFFFFFFE0, v4  }
0x27: {  	v3 =	vor.u32 v3, v4  }
0x28: {  	v4 =	vperm.xlane v3, v0;
	_ =	sdelay $0x1  }
0x29: {  	v4 =	vadd.s32 v1, v4;
	_ =	sdelay $0x1  }
0x2a: {  	v3 =	vperm.xlane v3, v2;
	_ =	sdelay $0x1  }
0x2b: {  	v3 =	vadd.s32 v1, v3  }
0x2c: {  	[tilespmem:s10], [sflag:$0x1] =	stream.indirect_vreg.gather [hbm4b:s1+s3], $0x80, v4, vm0, $0xb8;
	[tilespmem:$0x16400] =	vst v63  }
0x2d: {  	s21 =	simm.s32 $0x6C00  }
0x2e: {  	[tilespmem:s21], [sflag:$0x1] =	stream.indirect_vreg.gather [hbm4b:s5+s3], $0x80, v4, vm0, $0xb8;
	[tilespmem:$0x16400] =	vst v63  }
0x2f: {  	s22 =	simm.s32 $0x7400  }
0x30: {  	[tilespmem:s22], [sflag:$0x1] =	stream.indirect_vreg.gather [hbm4b:s1+s3], $0x80, v3, vm0, $0xb8;
	[tilespmem:$0x16400] =	vst v63  }
0x31: {  	s21 =	simm.s32 $0x7C00  }
0x32: {  	[tilespmem:s21], [sflag:$0x1] =	stream.indirect_vreg.gather [hbm4b:s5+s3], $0x80, v3, vm0, $0xb8;
	[tilespmem:$0x16400] =	vst v63  }
0x33: {  	v3 =	vld [tilespmem:$0x10];
	_ =	sdelay $0x4  }
0x34: {  	v61 =	vshll.u32 v3, $0x2  }
0x35: {  	v3 =	vand.u32 $0x7, v3;
	v4 =	vand.u32 $0xFFFFFFE0, v61  }
0x36: {  	v3 =	vor.u32 v3, v4  }
0x37: {  	v4 =	vperm.xlane v3, v0;
	_ =	sdelay $0x1  }
0x38: {  	v4 =	vadd.s32 v1, v4;
	_ =	sdelay $0x1  }
0x39: {  	v3 =	vperm.xlane v3, v2;
	_ =	sdelay $0x1  }
0x3a: {  	s22 =	simm.s32 $0x8400;
	v3 =	vadd.s32 v1, v3  }
0x3b: {  	[tilespmem:s22], [sflag:$0x1] =	stream.indirect_vreg.gather [hbm4b:s1+s3], $0x80, v4, vm0, $0xb8;
	[tilespmem:$0x16400] =	vst v63  }
0x3c: {  	s21 =	simm.s32 $0x8C00  }
0x3d: {  	[tilespmem:s21], [sflag:$0x1] =	stream.indirect_vreg.gather [hbm4b:s5+s3], $0x80, v4, vm0, $0xb8;
	[tilespmem:$0x16400] =	vst v63  }
0x3e: {  	s22 =	simm.s32 $0x9400  }
0x3f: {  	[tilespmem:s22], [sflag:$0x1] =	stream.indirect_vreg.gather [hbm4b:s1+s3], $0x80, v3, vm0, $0xb8;
	[tilespmem:$0x16400] =	vst v63  }
0x40: {  	s21 =	simm.s32 $0x9C00  }
0x41: {  	[tilespmem:s21], [sflag:$0x1] =	stream.indirect_vreg.gather [hbm4b:s5+s3], $0x80, v3, vm0, $0xb8;
	[tilespmem:$0x16400] =	vst v63  }
0x42: {  	v3 =	vld [tilespmem:$0x20];
	_ =	sdelay $0x4  }
0x43: {  	v62 =	vshll.u32 v3, $0x2  }
0x44: {  	v3 =	vand.u32 $0x7, v3;
	v4 =	vand.u32 $0xFFFFFFE0, v62  }
0x45: {  	v3 =	vor.u32 v3, v4  }
0x46: {  	v4 =	vperm.xlane v3, v0;
	_ =	sdelay $0x1  }
0x47: {  	v4 =	vadd.s32 v1, v4;
	_ =	sdelay $0x1  }
0x48: {  	v3 =	vperm.xlane v3, v2;
	_ =	sdelay $0x1  }
0x49: {  	s22 =	simm.s32 $0xA400;
	v3 =	vadd.s32 v1, v3  }
0x4a: {  	[tilespmem:s22], [sflag:$0x1] =	stream.indirect_vreg.gather [hbm4b:s1+s3], $0x80, v4, vm0, $0xb8;
	[tilespmem:$0x16400] =	vst v63  }
0x4b: {  	s21 =	simm.s32 $0xAC00  }
0x4c: {  	[tilespmem:s21], [sflag:$0x1] =	stream.indirect_vreg.gather [hbm4b:s5+s3], $0x80, v4, vm0, $0xb8;
	[tilespmem:$0x16400] =	vst v63  }
0x4d: {  	s22 =	simm.s32 $0xB400  }
0x4e: {  	[tilespmem:s22], [sflag:$0x1] =	stream.indirect_vreg.gather [hbm4b:s1+s3], $0x80, v3, vm0, $0xb8;
	[tilespmem:$0x16400] =	vst v63  }
0x4f: {  	s21 =	simm.s32 $0xBC00  }
0x50: {  	[tilespmem:s21], [sflag:$0x1] =	stream.indirect_vreg.gather [hbm4b:s5+s3], $0x80, v3, vm0, $0xb8;
	[tilespmem:$0x16400] =	vst v63  }
0x51: {  	v3 =	vld [tilespmem:$0x30];
	_ =	sdelay $0x4  }
0x52: {  	v63 =	vshll.u32 v3, $0x2  }
0x53: {  	v3 =	vand.u32 $0x7, v3;
	v4 =	vand.u32 $0xFFFFFFE0, v63  }
0x54: {  	v3 =	vor.u32 v3, v4  }
0x55: {  	v4 =	vperm.xlane v3, v0;
	_ =	sdelay $0x1  }
0x56: {  	v4 =	vadd.s32 v1, v4;
	_ =	sdelay $0x2  }
0x57: {  	v3 =	vperm.xlane v3, v2  }
0x58: {  	s22 =	simm.s32 $0xC400  }
0x59: {  	v3 =	vadd.s32 v1, v3;
	[tilespmem:s22], [sflag:$0x1] =	stream.indirect_vreg.gather [hbm4b:s1+s3], $0x80, v4, vm0, $0xb8;
	[tilespmem:$0x16400] =	vst v63  }
0x5a: {  	_ = 	snop  }
0x5b: {  	[tilespmem:s23], [sflag:$0x1] =	stream.indirect_vreg.gather [hbm4b:s5+s3], $0x80, v4, vm0, $0xb8;
	[tilespmem:$0x16400] =	vst v63  }
.Ltmp2:
0x5c: {  	_ = 	snop;
	(pc) =	sbr.rel .LBB2_2-.Ltmp2, $4  }
0x5d: {  	_ = 	snop  }
0x5e: {  	[tilespmem:s24], [sflag:$0x1] =	stream.indirect_vreg.gather [hbm4b:s1+s3], $0x80, v3, vm0, $0xb8;
	[tilespmem:$0x16400] =	vst v63  }
0x5f: {  	s20 =	simm.s32 $0x60;
	s21 =	simm.s32 $0x0  }
0x60: {  	[tilespmem:s25], [sflag:$0x1] =	stream.indirect_vreg.gather [hbm4b:s5+s3], $0x80, v3, vm0, $0xb8;
	[tilespmem:$0x16400] =	vst v63  }
.LBB2_4:
0x61: {  	s22 =	sadd.s32 s21, s7;
	s21 =	sadd.s32 $0x2000, s21  }
0x62: {  	p0 =	sne.s32 s21, $0x190000  }
.Ltmp3:
0x63: {  	_ = 	snop;
	(pc) =	sbr.rel @!p0 .LBB2_5-.Ltmp3, $3  }
0x64: {  	_ =	sdelay $0x1  }
0x65: {  	s20 =	sadd.s32 $0x80, s20  }
0x66: {  	[hbm4b:s22+s3] =	stream.linear.scatter [tilespmem:s28], [sflag:$0x4], $0x8000, $0x38;
	[tilespmem:$0x16400] =	vst v63  }
.LBB2_2:
0x67: {  	_ =	swait.ge [sflag:s26], $0x8000  }
0x68: {  	p0 =	seq.s32 s21, $0x0;
	[sflag:s26] =	ssyncset.done $0x0  }
0x69: {  	s22 =	simm.s32 @!p0 $0x4;
	[sflag:s26] =	ssyncadd.s32 $0xFFFF8000  }
0x6a: {  	_ =	swait.ge @!p0 [sflag:s22], $0x8000  }
0x6b: {  	[sflag:s22] =	ssyncset.done @!p0 $0x0  }
0x6c: {  	[sflag:s22] =	ssyncadd.s32 @!p0 $0xFFFF8000  }
0x6d: {  	v3 =	vld [tilespmem:s20+$0xFFFFFFE0];
	_ =	sdelay $0x4  }
0x6e: {  	v4 =	vshll.u32 v3, $0x2  }
0x6f: {  	v3 =	vand.u32 $0x7, v3;
	v4 =	vand.u32 $0xFFFFFFE0, v4  }
0x70: {  	v3 =	vor.u32 v3, v4  }
0x71: {  	v4 =	vperm.xlane v3, v0;
	_ =	sdelay $0x1  }
0x72: {  	v4 =	vadd.s32 v1, v4;
	_ =	sdelay $0x1  }
0x73: {  	v3 =	vperm.xlane v3, v2;
	_ =	sdelay $0x1  }
0x74: {  	v3 =	vadd.s32 v1, v3  }
0x75: {  	[tilespmem:s28], [sflag:$0x2] =	stream.indirect_vreg.gather [hbm4b:s1+s3], $0x80, v4, vm0, $0xb8;
	[tilespmem:$0x16400] =	vst v63  }
0x76: {  	_ = 	snop  }
0x77: {  	[tilespmem:s29], [sflag:$0x2] =	stream.indirect_vreg.gather [hbm4b:s5+s3], $0x80, v4, vm0, $0xb8;
	[tilespmem:$0x16400] =	vst v63  }
0x78: {  	_ = 	snop  }
0x79: {  	[tilespmem:s30], [sflag:$0x2] =	stream.indirect_vreg.gather [hbm4b:s1+s3], $0x80, v3, vm0, $0xb8;
	[tilespmem:$0x16400] =	vst v63  }
0x7a: {  	_ = 	snop  }
0x7b: {  	[tilespmem:s31], [sflag:$0x2] =	stream.indirect_vreg.gather [hbm4b:s5+s3], $0x80, v3, vm0, $0xb8;
	[tilespmem:$0x16400] =	vst v63  }
0x7c: {  	v3 =	vld [tilespmem:s20+$0xFFFFFFF0];
	_ =	sdelay $0x4  }
0x7d: {  	v61 =	vshll.u32 v3, $0x2  }
0x7e: {  	v3 =	vand.u32 $0x7, v3;
	v4 =	vand.u32 $0xFFFFFFE0, v61  }
0x7f: {  	v3 =	vor.u32 v3, v4  }
0x80: {  	v4 =	vperm.xlane v3, v0;
	_ =	sdelay $0x1  }
0x81: {  	v4 =	vadd.s32 v1, v4;
	_ =	sdelay $0x1  }
0x82: {  	v3 =	vperm.xlane v3, v2;
	_ =	sdelay $0x1  }
0x83: {  	v3 =	vadd.s32 v1, v3  }
0x84: {  	[tilespmem:s0], [sflag:$0x2] =	stream.indirect_vreg.gather [hbm4b:s1+s3], $0x80, v4, vm0, $0xb8;
	[tilespmem:$0x16400] =	vst v63  }
0x85: {  	_ = 	snop  }
0x86: {  	[tilespmem:s2], [sflag:$0x2] =	stream.indirect_vreg.gather [hbm4b:s5+s3], $0x80, v4, vm0, $0xb8;
	[tilespmem:$0x16400] =	vst v63  }
0x87: {  	_ = 	snop  }
0x88: {  	[tilespmem:s4], [sflag:$0x2] =	stream.indirect_vreg.gather [hbm4b:s1+s3], $0x80, v3, vm0, $0xb8;
	[tilespmem:$0x16400] =	vst v63  }
0x89: {  	_ = 	snop  }
0x8a: {  	[tilespmem:s6], [sflag:$0x2] =	stream.indirect_vreg.gather [hbm4b:s5+s3], $0x80, v3, vm0, $0xb8;
	[tilespmem:$0x16400] =	vst v63  }
0x8b: {  	v3 =	vld [tilespmem:s20+$0x0];
	_ =	sdelay $0x4  }
0x8c: {  	v62 =	vshll.u32 v3, $0x2  }
0x8d: {  	v3 =	vand.u32 $0x7, v3;
	v4 =	vand.u32 $0xFFFFFFE0, v62  }
0x8e: {  	v3 =	vor.u32 v3, v4  }
0x8f: {  	v4 =	vperm.xlane v3, v0;
	_ =	sdelay $0x1  }
0x90: {  	v4 =	vadd.s32 v1, v4;
	_ =	sdelay $0x1  }
0x91: {  	v3 =	vperm.xlane v3, v2;
	_ =	sdelay $0x1  }
0x92: {  	v3 =	vadd.s32 v1, v3  }
0x93: {  	[tilespmem:s9], [sflag:$0x2] =	stream.indirect_vreg.gather [hbm4b:s1+s3], $0x80, v4, vm0, $0xb8;
	[tilespmem:$0x16400] =	vst v63  }
0x94: {  	_ = 	snop  }
0x95: {  	[tilespmem:s11], [sflag:$0x2] =	stream.indirect_vreg.gather [hbm4b:s5+s3], $0x80, v4, vm0, $0xb8;
	[tilespmem:$0x16400] =	vst v63  }
0x96: {  	_ = 	snop  }
0x97: {  	[tilespmem:s12], [sflag:$0x2] =	stream.indirect_vreg.gather [hbm4b:s1+s3], $0x80, v3, vm0, $0xb8;
	[tilespmem:$0x16400] =	vst v63  }
0x98: {  	_ = 	snop  }
0x99: {  	[tilespmem:s13], [sflag:$0x2] =	stream.indirect_vreg.gather [hbm4b:s5+s3], $0x80, v3, vm0, $0xb8;
	[tilespmem:$0x16400] =	vst v63  }
0x9a: {  	v3 =	vld [tilespmem:s20+$0x10];
	_ =	sdelay $0x4  }
0x9b: {  	v63 =	vshll.u32 v3, $0x2  }
0x9c: {  	v3 =	vand.u32 $0x7, v3;
	v4 =	vand.u32 $0xFFFFFFE0, v63  }
0x9d: {  	v3 =	vor.u32 v3, v4  }
0x9e: {  	v4 =	vperm.xlane v3, v0;
	_ =	sdelay $0x1  }
0x9f: {  	v4 =	vadd.s32 v1, v4;
	_ =	sdelay $0x1  }
0xa0: {  	v3 =	vperm.xlane v3, v2;
	_ =	sdelay $0x1  }
0xa1: {  	v3 =	vadd.s32 v1, v3  }
0xa2: {  	[tilespmem:s14], [sflag:$0x2] =	stream.indirect_vreg.gather [hbm4b:s1+s3], $0x80, v4, vm0, $0xb8;
	[tilespmem:$0x16400] =	vst v63  }
0xa3: {  	_ = 	snop  }
0xa4: {  	[tilespmem:s15], [sflag:$0x2] =	stream.indirect_vreg.gather [hbm4b:s5+s3], $0x80, v4, vm0, $0xb8;
	[tilespmem:$0x16400] =	vst v63  }
0xa5: {  	_ = 	snop  }
0xa6: {  	[tilespmem:s16], [sflag:$0x2] =	stream.indirect_vreg.gather [hbm4b:s1+s3], $0x80, v3, vm0, $0xb8;
	[tilespmem:$0x16400] =	vst v63  }
0xa7: {  	_ = 	snop  }
0xa8: {  	[tilespmem:s17], [sflag:$0x2] =	stream.indirect_vreg.gather [hbm4b:s5+s3], $0x80, v3, vm0, $0xb8;
	[tilespmem:$0x16400] =	vst v63  }
0xa9: {  	s22 =	sadd.s32 s21, s8  }
0xaa: {  	[hbm4b:s22+s3] =	stream.linear.scatter [tilespmem:s10], [sflag:$0x3], $0x8000, $0x38;
	[tilespmem:$0x16400] =	vst v63  }
0xab: {  	p0 =	seq.s32 s21, $0x18E000;
	_ =	swait.ge [sflag:s18], $0x8000  }
.Ltmp4:
0xac: {  	[sflag:s18] =	ssyncset.done $0x0;
	(pc) =	sbr.rel @p0 .LBB2_4-.Ltmp4, $4  }
0xad: {  	[sflag:s18] =	ssyncadd.s32 $0xFFFF8000  }
0xae: {  	_ =	swait.ge [sflag:s19], $0x8000  }
0xaf: {  	[sflag:s19] =	ssyncset.done $0x0  }
0xb0: {  	[sflag:s19] =	ssyncadd.s32 $0xFFFF8000  }
0xb1: {  	v3 =	vld [tilespmem:s20+$0x20];
	_ =	sdelay $0x4  }
0xb2: {  	v4 =	vshll.u32 v3, $0x2  }
0xb3: {  	v3 =	vand.u32 $0x7, v3;
	v4 =	vand.u32 $0xFFFFFFE0, v4  }
0xb4: {  	v3 =	vor.u32 v3, v4  }
0xb5: {  	v4 =	vperm.xlane v3, v0;
	_ =	sdelay $0x1  }
0xb6: {  	v4 =	vadd.s32 v1, v4;
	_ =	sdelay $0x1  }
0xb7: {  	v3 =	vperm.xlane v3, v2;
	_ =	sdelay $0x1  }
0xb8: {  	v3 =	vadd.s32 v1, v3  }
0xb9: {  	[tilespmem:s10], [sflag:$0x1] =	stream.indirect_vreg.gather [hbm4b:s1+s3], $0x80, v4, vm0, $0xb8;
	[tilespmem:$0x16400] =	vst v63  }
0xba: {  	s22 =	simm.s32 $0x6C00  }
0xbb: {  	[tilespmem:s22], [sflag:$0x1] =	stream.indirect_vreg.gather [hbm4b:s5+s3], $0x80, v4, vm0, $0xb8;
	[tilespmem:$0x16400] =	vst v63  }
0xbc: {  	s22 =	simm.s32 $0x7400  }
0xbd: {  	[tilespmem:s22], [sflag:$0x1] =	stream.indirect_vreg.gather [hbm4b:s1+s3], $0x80, v3, vm0, $0xb8;
	[tilespmem:$0x16400] =	vst v63  }
0xbe: {  	s22 =	simm.s32 $0x7C00  }
0xbf: {  	[tilespmem:s22], [sflag:$0x1] =	stream.indirect_vreg.gather [hbm4b:s5+s3], $0x80, v3, vm0, $0xb8;
	[tilespmem:$0x16400] =	vst v63  }
0xc0: {  	v3 =	vld [tilespmem:s20+$0x30];
	_ =	sdelay $0x4  }
0xc1: {  	v61 =	vshll.u32 v3, $0x2  }
0xc2: {  	v3 =	vand.u32 $0x7, v3;
	v4 =	vand.u32 $0xFFFFFFE0, v61  }
0xc3: {  	v3 =	vor.u32 v3, v4  }
0xc4: {  	v4 =	vperm.xlane v3, v0;
	_ =	sdelay $0x1  }
0xc5: {  	v4 =	vadd.s32 v1, v4;
	_ =	sdelay $0x1  }
0xc6: {  	v3 =	vperm.xlane v3, v2;
	_ =	sdelay $0x1  }
0xc7: {  	s22 =	simm.s32 $0x8400;
	v3 =	vadd.s32 v1, v3  }
0xc8: {  	[tilespmem:s22], [sflag:$0x1] =	stream.indirect_vreg.gather [hbm4b:s1+s3], $0x80, v4, vm0, $0xb8;
	[tilespmem:$0x16400] =	vst v63  }
0xc9: {  	s22 =	simm.s32 $0x8C00  }
0xca: {  	[tilespmem:s22], [sflag:$0x1] =	stream.indirect_vreg.gather [hbm4b:s5+s3], $0x80, v4, vm0, $0xb8;
	[tilespmem:$0x16400] =	vst v63  }
0xcb: {  	s22 =	simm.s32 $0x9400  }
0xcc: {  	[tilespmem:s22], [sflag:$0x1] =	stream.indirect_vreg.gather [hbm4b:s1+s3], $0x80, v3, vm0, $0xb8;
	[tilespmem:$0x16400] =	vst v63  }
0xcd: {  	s22 =	simm.s32 $0x9C00  }
0xce: {  	[tilespmem:s22], [sflag:$0x1] =	stream.indirect_vreg.gather [hbm4b:s5+s3], $0x80, v3, vm0, $0xb8;
	[tilespmem:$0x16400] =	vst v63  }
0xcf: {  	v3 =	vld [tilespmem:s20+$0x40];
	_ =	sdelay $0x4  }
0xd0: {  	v62 =	vshll.u32 v3, $0x2  }
0xd1: {  	v3 =	vand.u32 $0x7, v3;
	v4 =	vand.u32 $0xFFFFFFE0, v62  }
0xd2: {  	v3 =	vor.u32 v3, v4  }
0xd3: {  	v4 =	vperm.xlane v3, v0;
	_ =	sdelay $0x1  }
0xd4: {  	v4 =	vadd.s32 v1, v4;
	_ =	sdelay $0x1  }
0xd5: {  	v3 =	vperm.xlane v3, v2;
	_ =	sdelay $0x1  }
0xd6: {  	s22 =	simm.s32 $0xA400;
	v3 =	vadd.s32 v1, v3  }
0xd7: {  	[tilespmem:s22], [sflag:$0x1] =	stream.indirect_vreg.gather [hbm4b:s1+s3], $0x80, v4, vm0, $0xb8;
	[tilespmem:$0x16400] =	vst v63  }
0xd8: {  	s22 =	simm.s32 $0xAC00  }
0xd9: {  	[tilespmem:s22], [sflag:$0x1] =	stream.indirect_vreg.gather [hbm4b:s5+s3], $0x80, v4, vm0, $0xb8;
	[tilespmem:$0x16400] =	vst v63  }
0xda: {  	s22 =	simm.s32 $0xB400  }
0xdb: {  	[tilespmem:s22], [sflag:$0x1] =	stream.indirect_vreg.gather [hbm4b:s1+s3], $0x80, v3, vm0, $0xb8;
	[tilespmem:$0x16400] =	vst v63  }
0xdc: {  	s22 =	simm.s32 $0xBC00  }
0xdd: {  	[tilespmem:s22], [sflag:$0x1] =	stream.indirect_vreg.gather [hbm4b:s5+s3], $0x80, v3, vm0, $0xb8;
	[tilespmem:$0x16400] =	vst v63  }
0xde: {  	v3 =	vld [tilespmem:s20+$0x50];
	_ =	sdelay $0x4  }
0xdf: {  	v63 =	vshll.u32 v3, $0x2  }
0xe0: {  	v3 =	vand.u32 $0x7, v3;
	v4 =	vand.u32 $0xFFFFFFE0, v63  }
0xe1: {  	v3 =	vor.u32 v3, v4  }
0xe2: {  	v4 =	vperm.xlane v3, v0;
	_ =	sdelay $0x1  }
0xe3: {  	v4 =	vadd.s32 v1, v4;
	_ =	sdelay $0x2  }
0xe4: {  	v3 =	vperm.xlane v3, v2  }
0xe5: {  	s22 =	simm.s32 $0xC400  }
0xe6: {  	v3 =	vadd.s32 v1, v3;
	[tilespmem:s22], [sflag:$0x1] =	stream.indirect_vreg.gather [hbm4b:s1+s3], $0x80, v4, vm0, $0xb8;
	[tilespmem:$0x16400] =	vst v63  }
0xe7: {  	_ = 	snop  }
0xe8: {  	[tilespmem:s23], [sflag:$0x1] =	stream.indirect_vreg.gather [hbm4b:s5+s3], $0x80, v4, vm0, $0xb8;
	[tilespmem:$0x16400] =	vst v63  }
.Ltmp5:
0xe9: {  	_ = 	snop;
	(pc) =	sbr.rel .LBB2_4-.Ltmp5, $4  }
0xea: {  	_ = 	snop  }
0xeb: {  	[tilespmem:s24], [sflag:$0x1] =	stream.indirect_vreg.gather [hbm4b:s1+s3], $0x80, v3, vm0, $0xb8;
	[tilespmem:$0x16400] =	vst v63  }
0xec: {  	_ = 	snop  }
0xed: {  	[tilespmem:s25], [sflag:$0x1] =	stream.indirect_vreg.gather [hbm4b:s5+s3], $0x80, v3, vm0, $0xb8;
	[tilespmem:$0x16400] =	vst v63  }
.LBB2_6:
0xee: {  	_ =	sfence.sel $0x180000  }
0xef: {  	[bflag:$0x0] =	sbarrier.arrive $0xFFFF  }
0xf0: {  	_ =	strace $0x90000047  }
0xf1: {  	s0 =	stileid.u32;
	[bflag:$0x2] =	sbarrier.arrive $0xFFFF  }
0xf2: {  	p0 =	sne.s32 s0, $0x0;
	s0 =	rddreg [dreg:$0x3]  }
0xf3: {  	s0 =	sadd.s32 @!p0 $0x100000, s0  }
0xf4: {  	[sflag:s0] =	ssyncadd.tile.s32 @!p0 $0x1;
	_ =	shalt  }
.Lfunc_end2:
_tile_overlayer_lowered:
.L_overlay_start_2:
0xf5: {  	(tag) =	ssettag $0x2  }
0xf6: {  	s0 =	rddreg [dreg:$0x0];
	s2 =	stileid.u32  }
0xf7: {  	s1 =	rddreg [dreg:$0x1];
	p0 =	sne.s32 s2, $0x0  }
0xf8: {  	s3 =	rddreg [dreg:$0x2];
	[bflag:$0x3] =	sbarrier.arrive $0xFFFF;
	s2 =	simm.s32 @!p0 $0x1C05  }
0xf9: {  	[timem:s3], [sflag:s2] =	dma.local @!p0 [hbm:s0], s1  }
0xfa: {  	s0 =	simm.s32 @!p0 $0x5  }
0xfb: {  	_ =	swait.ge @!p0 [sflag:s0], s1  }
0xfc: {  	s1 =	ssub.s32 @!p0 $0x0, s1;
	[sflag:s0] =	ssyncset.done @!p0 $0x0  }
0xfd: {  	[sflag:s0] =	ssyncadd.s32 @!p0 s1  }
0xfe: {  	[bflag:$0x3] =	sbarrier.arrive $0xFFFF  }
0xff: {  	_ =	shalt  }

</sc_bundles>
